<compile_context>
chip_gen: v7x
topology: tpu7x:2x2x1
jax: 0.10.2.dev20260603
libtpu: 0.0.44.dev20260713+nightly
codegen_flags: <defaults>
</compile_context>

<pallas_src>
import functools

import jax
import jax.numpy as jnp
from jax import lax
from jax.experimental import pallas as pl
from jax.experimental.pallas import tpu as pltpu
from jax.experimental.pallas import tpu_sc as plsc

_MARGIN = 1.0
_B = 256
_BIG = 1e30
_NW = 32
_APW = _B // _NW
_L = 16
_NCH = _B // _L


def _prep_kernel(emb_ref, tcol_ref, trow_ref, dp_ref, dn_ref, cnt_ref):
    e = emb_ref[:]
    g = jnp.dot(e, e.T, preferred_element_type=jnp.float32)
    sq = jnp.sum(e * e, axis=1)
    dist = sq[:, None] + sq[None, :] - 2.0 * g

    lab_eq = tcol_ref[:] == trow_ref[:]
    row_i = jax.lax.broadcasted_iota(jnp.int32, (_B, _B), 0)
    col_i = jax.lax.broadcasted_iota(jnp.int32, (_B, _B), 1)
    pos_mask = lab_eq & (row_i != col_i)
    neg_mask = jnp.logical_not(lab_eq)

    dp_ref[:, :] = jnp.where(pos_mask, dist + _MARGIN, -_BIG)
    dn_ref[:, :] = jnp.where(neg_mask, dist, _BIG)

    pos_cnt = jnp.sum(pos_mask.astype(jnp.int32), axis=1)
    neg_cnt = jnp.sum(neg_mask.astype(jnp.int32), axis=1)
    cnt_ref[:, :] = jnp.reshape(jnp.sum(pos_cnt * neg_cnt), (1, 1))


def _sc_triplet_body(dp_hbm, dn_hbm, out_hbm, dp_v, dn_v, out_v, sem):
    wid = lax.axis_index("s") * 2 + lax.axis_index("c")
    base = wid * _APW
    cp1 = pltpu.async_copy(dp_hbm.at[pl.ds(base, _APW)], dp_v, sem)
    cp2 = pltpu.async_copy(dn_hbm.at[pl.ds(base, _APW)], dn_v, sem)
    cp1.wait()
    cp2.wait()

    lane = lax.iota(jnp.int32, _L)
    zero = jnp.zeros((_L,), jnp.float32)

    def anchor_body(i, accs):
        dn_row = tuple(dn_v[i, pl.ds(cc * _L, _L)] for cc in range(_NCH))

        def chunk_body(c, accs):
            chunk = dp_v[i, pl.ds(c * _L, _L)]
            m0 = chunk > -_BIG * 0.5

            def cond(st):
                return jnp.any(st[0])

            def wbody(st):
                m, a0, a1, a2, a3 = st
                jv = plsc.all_reduce_ffs(m)
                t = lax.gather(
                    chunk, jv[:, None],
                    lax.GatherDimensionNumbers(
                        offset_dims=(), collapsed_slice_dims=(0,),
                        start_index_map=(0,)),
                    (1,), mode=lax.GatherScatterMode.PROMISE_IN_BOUNDS)
                m = jnp.logical_and(m, lane != jv)
                aa = [a0, a1, a2, a3]
                for cc in range(_NCH):
                    aa[cc % 4] = aa[cc % 4] + jnp.maximum(t - dn_row[cc], 0.0)
                return (m, aa[0], aa[1], aa[2], aa[3])

            st = lax.while_loop(cond, wbody, (m0,) + accs)
            return st[1:]

        return lax.fori_loop(0, _NCH, chunk_body, accs)

    accs = lax.fori_loop(0, _APW, anchor_body, (zero, zero, zero, zero))
    out_v[:] = accs[0] + accs[1] + accs[2] + accs[3]
    pltpu.sync_copy(out_v, out_hbm.at[wid])


_sc_triplet = functools.partial(
    pl.kernel,
    out_type=jax.ShapeDtypeStruct((_NW, _L), jnp.float32),
    mesh=plsc.VectorSubcoreMesh(core_axis_name="c", subcore_axis_name="s"),
    compiler_params=pltpu.CompilerParams(
        needs_layout_passes=False, use_tc_tiling_on_sc=False),
    scratch_types=[
        pltpu.VMEM((_APW, _B), jnp.float32),
        pltpu.VMEM((_APW, _B), jnp.float32),
        pltpu.VMEM((_L,), jnp.float32),
        pltpu.SemaphoreType.DMA,
    ],
)(_sc_triplet_body)


def _finalize_kernel(part_ref, cnt_ref, loss_ref):
    num = cnt_ref[0, 0]
    s = jnp.sum(part_ref[:, :])
    loss = jnp.where(num > 0, s / jnp.maximum(num, 1).astype(jnp.float32), 0.0)
    loss_ref[:, :] = jnp.reshape(loss, (1, 1))


def kernel(embeddings, target):
    t32 = target.astype(jnp.int32)
    dp, dn, cnt = pl.pallas_call(
        _prep_kernel,
        out_shape=(
            jax.ShapeDtypeStruct((_B, _B), jnp.float32),
            jax.ShapeDtypeStruct((_B, _B), jnp.float32),
            jax.ShapeDtypeStruct((1, 1), jnp.int32),
        ),
    )(embeddings, t32.reshape(_B, 1), t32.reshape(1, _B))

    partials = _sc_triplet(dp, dn)

    loss = pl.pallas_call(
        _finalize_kernel,
        out_shape=jax.ShapeDtypeStruct((1, 1), jnp.float32),
    )(partials, cnt)
    return loss[0, 0], cnt[0, 0]

# --- scband reference (transcript-rebuilt; emitter-appended) ---
"""Pipeline reference for scband-online-triplet-loss-8366596292960 (READ-ONLY COPY).

The authoritative reference and input builder live on the scoring server;
editing this copy changes nothing except your own understanding.
"""

import jax, jax.numpy as jnp
import numpy as np

MARGIN = 1.0


def setup_inputs(seed: int = 0) -> dict:
    key = jax.random.key(seed)
    k1, k2 = jax.random.split(key)
    embeddings = jax.random.normal(k1, (256, 1024), dtype=jnp.float32)
    target = jax.random.randint(k2, (256,), 0, 16).astype(jnp.int64)
    return {"embeddings": embeddings, "target": target}


def reference(embeddings, target):
    # Faithful translation of OnlineTripletLoss with an AllTripletSelector:
    # the selector returns every valid (anchor, positive, negative) index triple
    # (label[a]==label[p], a!=p, label[a]!=label[n]). Instead of materializing
    # index lists (data-dependent shapes), we compute the identical math with
    # a dense [B,B,B] mask.
    B = embeddings.shape[0]
    sq = jnp.sum(embeddings * embeddings, axis=1)
    # squared euclidean pairwise distances: dist[i,j] = ||e_i - e_j||^2
    dist = sq[:, None] + sq[None, :] - 2.0 * (embeddings @ embeddings.T)
    lab_eq = target[:, None] == target[None, :]
    eye = jnp.eye(B, dtype=bool)
    pos_mask = lab_eq & (~eye)          # [a, p] valid positive
    neg_mask = ~lab_eq                   # [a, n] valid negative
    triplet_mask = pos_mask[:, :, None] & neg_mask[:, None, :]  # [a, p, n]
    # ap_distances - an_distances + margin, relu, mean over all selected triplets
    tl = jax.nn.relu(dist[:, :, None] - dist[:, None, :] + MARGIN)
    num_triplets = jnp.sum(triplet_mask)
    loss_sum = jnp.sum(jnp.where(triplet_mask, tl, 0.0))
    # torch code returns zeros(1).mean() == 0.0 when no triplets
    loss = jnp.where(num_triplets > 0, loss_sum / jnp.maximum(num_triplets, 1), 0.0)
    return loss, num_triplets

if __name__ == "__main__":
    import jax
    _d = setup_inputs()
    print(jax.jit(kernel)(*tuple(_d.values())))

</pallas_src>

<mosaic_0001>
#map = affine_map<(d0, d1) -> (0, 0)>
module attributes {stable_mosaic.version = 14 : i64} {
  func.func @_sc_triplet_body(%arg0: i32, %arg1: i32, %arg2: memref<256x256xf32, #tpu.memory_space<hbm>>, %arg3: memref<256x256xf32, #tpu.memory_space<hbm>>, %arg4: memref<32x16xf32, #tpu.memory_space<hbm>>, %arg5: memref<8x256xf32, #tpu.memory_space<vmem>>, %arg6: memref<8x256xf32, #tpu.memory_space<vmem>>, %arg7: memref<16xf32, #tpu.memory_space<vmem>>, %arg8: memref<!tpu.dma_semaphore, #tpu.memory_space<semaphore_mem>>) attributes {dimension_semantics = [#tpu.dimension_semantics<core_parallel>, #tpu.dimension_semantics<subcore_parallel>], iteration_bounds = array<i64: 2, 16>, scalar_prefetch = 0 : i64, scratch_operands = 4 : i64, tpu.core_type = #tpu.core_type<sc_vector_subcore>, window_params = [{transform_indices = #map}, {transform_indices = #map}, {transform_indices = #map}]} {
    %mul3A = arith.constant 2 : i32
    %mul3A_0 = arith.muli %arg1, %mul3A : i32
    %add3A = arith.addi %mul3A_0, %arg0 : i32
    %mul3A_1 = arith.constant 8 : i32
    %mul3A_2 = arith.muli %add3A, %mul3A_1 : i32
    %dma_start3A = arith.constant 0 : i32
    %dma_start3A_3 = tpu.memref_slice %arg2[%mul3A_2, %dma_start3A] : memref<256x256xf32, #tpu.memory_space<hbm>> -> memref<8x256xf32, #tpu.memory_space<hbm>>
    %dma_start3A_4 = arith.constant 0 : i32
    %dma_start3A_5 = tpu.memref_slice %arg2[%mul3A_2, %dma_start3A_4] : memref<256x256xf32, #tpu.memory_space<hbm>> -> memref<8x256xf32, #tpu.memory_space<hbm>>
    tpu.enqueue_dma source(%dma_start3A_5 : memref<8x256xf32, #tpu.memory_space<hbm>>) target(%arg5 : memref<8x256xf32, #tpu.memory_space<vmem>>) target_semaphore(%arg8 : memref<!tpu.dma_semaphore, #tpu.memory_space<semaphore_mem>>)
    %dma_start3A_6 = arith.constant 0 : i32
    %dma_start3A_7 = tpu.memref_slice %arg3[%mul3A_2, %dma_start3A_6] : memref<256x256xf32, #tpu.memory_space<hbm>> -> memref<8x256xf32, #tpu.memory_space<hbm>>
    %dma_start3A_8 = arith.constant 0 : i32
    %dma_start3A_9 = tpu.memref_slice %arg3[%mul3A_2, %dma_start3A_8] : memref<256x256xf32, #tpu.memory_space<hbm>> -> memref<8x256xf32, #tpu.memory_space<hbm>>
    tpu.enqueue_dma source(%dma_start3A_9 : memref<8x256xf32, #tpu.memory_space<hbm>>) target(%arg6 : memref<8x256xf32, #tpu.memory_space<vmem>>) target_semaphore(%arg8 : memref<!tpu.dma_semaphore, #tpu.memory_space<semaphore_mem>>)
    %dma_wait3A = arith.constant 0 : i32
    %dma_wait3A_10 = tpu.memref_slice %arg2[%mul3A_2, %dma_wait3A] : memref<256x256xf32, #tpu.memory_space<hbm>> -> memref<8x256xf32, #tpu.memory_space<hbm>>
    %dma_wait3A_11 = arith.constant 0 : i32
    %dma_wait3A_12 = tpu.memref_slice %arg2[%mul3A_2, %dma_wait3A_11] : memref<256x256xf32, #tpu.memory_space<hbm>> -> memref<8x256xf32, #tpu.memory_space<hbm>>
    tpu.wait_dma2 semaphore(%arg8 : memref<!tpu.dma_semaphore, #tpu.memory_space<semaphore_mem>>) src(%dma_wait3A_12 : memref<8x256xf32, #tpu.memory_space<hbm>>) dst(%arg5 : memref<8x256xf32, #tpu.memory_space<vmem>>)
    %dma_wait3A_13 = arith.constant 0 : i32
    %dma_wait3A_14 = tpu.memref_slice %arg3[%mul3A_2, %dma_wait3A_13] : memref<256x256xf32, #tpu.memory_space<hbm>> -> memref<8x256xf32, #tpu.memory_space<hbm>>
    %dma_wait3A_15 = arith.constant 0 : i32
    %dma_wait3A_16 = tpu.memref_slice %arg3[%mul3A_2, %dma_wait3A_15] : memref<256x256xf32, #tpu.memory_space<hbm>> -> memref<8x256xf32, #tpu.memory_space<hbm>>
    tpu.wait_dma2 semaphore(%arg8 : memref<!tpu.dma_semaphore, #tpu.memory_space<semaphore_mem>>) src(%dma_wait3A_16 : memref<8x256xf32, #tpu.memory_space<hbm>>) dst(%arg6 : memref<8x256xf32, #tpu.memory_space<vmem>>)
    %iota3A = tpu.iota {dimensions = array<i32: 0>} : vector<16xi32>
    %broadcast_in_dim3A = arith.constant 0.000000e+00 : f32
    %broadcast_in_dim3A_17 = vector.broadcast %broadcast_in_dim3A : f32 to vector<16xf32>
    %scan3A = arith.constant 0 : i32
    %scan3A_18 = arith.constant 8 : i32
    %scan3A_19 = arith.addi %scan3A, %scan3A_18 : i32
    %scan3A_20 = arith.constant 1 : i32
    %scan3A_21:4 = scf.for %scan3A_27 = %scan3A to %scan3A_19 step %scan3A_20 iter_args(%scan3A_28 = %broadcast_in_dim3A_17, %scan3A_29 = %broadcast_in_dim3A_17, %scan3A_30 = %broadcast_in_dim3A_17, %scan3A_31 = %broadcast_in_dim3A_17) -> (vector<16xf32>, vector<16xf32>, vector<16xf32>, vector<16xf32>)  : i32 {
      %get3A = arith.index_cast %scan3A_27 : i32 to index
      %get3A_32 = arith.constant 0 : index
      %get3A_33 = tpu.vector_load %arg6[%get3A, %get3A_32] {strides = array<i32>} : memref<8x256xf32, #tpu.memory_space<vmem>>, vector<16xf32>,
      %get3A_34 = arith.index_cast %scan3A_27 : i32 to index
      %get3A_35 = arith.constant 16 : index
      %get3A_36 = tpu.vector_load %arg6[%get3A_34, %get3A_35] {strides = array<i32>} : memref<8x256xf32, #tpu.memory_space<vmem>>, vector<16xf32>,
      %get3A_37 = arith.index_cast %scan3A_27 : i32 to index
      %get3A_38 = arith.constant 32 : index
      %get3A_39 = tpu.vector_load %arg6[%get3A_37, %get3A_38] {strides = array<i32>} : memref<8x256xf32, #tpu.memory_space<vmem>>, vector<16xf32>,
      %get3A_40 = arith.index_cast %scan3A_27 : i32 to index
      %get3A_41 = arith.constant 48 : index
      %get3A_42 = tpu.vector_load %arg6[%get3A_40, %get3A_41] {strides = array<i32>} : memref<8x256xf32, #tpu.memory_space<vmem>>, vector<16xf32>,
      %get3A_43 = arith.index_cast %scan3A_27 : i32 to index
      %get3A_44 = arith.constant 64 : index
      %get3A_45 = tpu.vector_load %arg6[%get3A_43, %get3A_44] {strides = array<i32>} : memref<8x256xf32, #tpu.memory_space<vmem>>, vector<16xf32>,
      %get3A_46 = arith.index_cast %scan3A_27 : i32 to index
      %get3A_47 = arith.constant 80 : index
      %get3A_48 = tpu.vector_load %arg6[%get3A_46, %get3A_47] {strides = array<i32>} : memref<8x256xf32, #tpu.memory_space<vmem>>, vector<16xf32>,
      %get3A_49 = arith.index_cast %scan3A_27 : i32 to index
      %get3A_50 = arith.constant 96 : index
      %get3A_51 = tpu.vector_load %arg6[%get3A_49, %get3A_50] {strides = array<i32>} : memref<8x256xf32, #tpu.memory_space<vmem>>, vector<16xf32>,
      %get3A_52 = arith.index_cast %scan3A_27 : i32 to index
      %get3A_53 = arith.constant 112 : index
      %get3A_54 = tpu.vector_load %arg6[%get3A_52, %get3A_53] {strides = array<i32>} : memref<8x256xf32, #tpu.memory_space<vmem>>, vector<16xf32>,
      %get3A_55 = arith.index_cast %scan3A_27 : i32 to index
      %get3A_56 = arith.constant 128 : index
      %get3A_57 = tpu.vector_load %arg6[%get3A_55, %get3A_56] {strides = array<i32>} : memref<8x256xf32, #tpu.memory_space<vmem>>, vector<16xf32>,
      %get3A_58 = arith.index_cast %scan3A_27 : i32 to index
      %get3A_59 = arith.constant 144 : index
      %get3A_60 = tpu.vector_load %arg6[%get3A_58, %get3A_59] {strides = array<i32>} : memref<8x256xf32, #tpu.memory_space<vmem>>, vector<16xf32>,
      %get3A_61 = arith.index_cast %scan3A_27 : i32 to index
      %get3A_62 = arith.constant 160 : index
      %get3A_63 = tpu.vector_load %arg6[%get3A_61, %get3A_62] {strides = array<i32>} : memref<8x256xf32, #tpu.memory_space<vmem>>, vector<16xf32>,
      %get3A_64 = arith.index_cast %scan3A_27 : i32 to index
      %get3A_65 = arith.constant 176 : index
      %get3A_66 = tpu.vector_load %arg6[%get3A_64, %get3A_65] {strides = array<i32>} : memref<8x256xf32, #tpu.memory_space<vmem>>, vector<16xf32>,
      %get3A_67 = arith.index_cast %scan3A_27 : i32 to index
      %get3A_68 = arith.constant 192 : index
      %get3A_69 = tpu.vector_load %arg6[%get3A_67, %get3A_68] {strides = array<i32>} : memref<8x256xf32, #tpu.memory_space<vmem>>, vector<16xf32>,
      %get3A_70 = arith.index_cast %scan3A_27 : i32 to index
      %get3A_71 = arith.constant 208 : index
      %get3A_72 = tpu.vector_load %arg6[%get3A_70, %get3A_71] {strides = array<i32>} : memref<8x256xf32, #tpu.memory_space<vmem>>, vector<16xf32>,
      %get3A_73 = arith.index_cast %scan3A_27 : i32 to index
      %get3A_74 = arith.constant 224 : index
      %get3A_75 = tpu.vector_load %arg6[%get3A_73, %get3A_74] {strides = array<i32>} : memref<8x256xf32, #tpu.memory_space<vmem>>, vector<16xf32>,
      %get3A_76 = arith.index_cast %scan3A_27 : i32 to index
      %get3A_77 = arith.constant 240 : index
      %get3A_78 = tpu.vector_load %arg6[%get3A_76, %get3A_77] {strides = array<i32>} : memref<8x256xf32, #tpu.memory_space<vmem>>, vector<16xf32>,
      %scan3A_79 = arith.constant 0 : i32
      %scan3A_80 = arith.constant 16 : i32
      %scan3A_81 = arith.addi %scan3A_79, %scan3A_80 : i32
      %scan3A_82 = arith.constant 1 : i32
      %scan3A_83:4 = scf.for %scan3A_85 = %scan3A_79 to %scan3A_81 step %scan3A_82 iter_args(%scan3A_86 = %scan3A_28, %scan3A_87 = %scan3A_29, %scan3A_88 = %scan3A_30, %scan3A_89 = %scan3A_31) -> (vector<16xf32>, vector<16xf32>, vector<16xf32>, vector<16xf32>)  : i32 {
        %mul3A_90 = arith.constant 16 : i32
        %mul3A_91 = arith.muli %scan3A_85, %mul3A_90 : i32
        %get3A_92 = arith.index_cast %scan3A_27 : i32 to index
        %get3A_93 = arith.index_cast %mul3A_91 : i32 to index
        %get3A_94 = tpu.vector_load %arg5[%get3A_92, %get3A_93] {strides = array<i32>} : memref<8x256xf32, #tpu.memory_space<vmem>>, vector<16xf32>,
        %gt3A = arith.constant -5.000000e+29 : f32
        %gt3A_95 = vector.broadcast %gt3A : f32 to vector<16xf32>
        %gt3A_96 = arith.cmpf ogt, %get3A_94, %gt3A_95 : vector<16xf32>
        %while3A:5 = scf.while (%while3A_97 = %gt3A_96, %while3A_98 = %scan3A_86, %while3A_99 = %scan3A_87, %while3A_100 = %scan3A_88, %while3A_101 = %scan3A_89) : (vector<16xi1>, vector<16xf32>, vector<16xf32>, vector<16xf32>, vector<16xf32>) -> (vector<16xi1>, vector<16xf32>, vector<16xf32>, vector<16xf32>, vector<16xf32>) {
          %reduce_or3A = arith.constant 1.000000e+00 : f32
          %reduce_or3A_102 = arith.constant 0.000000e+00 : f32
          %reduce_or3A_103 = vector.broadcast %reduce_or3A : f32 to vector<16xf32>
          %reduce_or3A_104 = vector.broadcast %reduce_or3A_102 : f32 to vector<16xf32>
          %reduce_or3A_105 = arith.select %while3A_97, %reduce_or3A_103, %reduce_or3A_104 : vector<16xi1>, vector<16xf32>
          %reduce_or3A_106 = arith.constant true
          %reduce_or3A_107 = vector.broadcast %reduce_or3A_106 : i1 to vector<16xi1>
          %reduce_or3A_108 = tpu.scan <max>, %reduce_or3A_105 masked %reduce_or3A_107 : vector<16xf32>, vector<16xi1> -> vector<16xf32>
          %reduce_or3A_109 = vector.extract %reduce_or3A_108[15] : f32 from vector<16xf32>
          %reduce_or3A_110 = arith.constant 0.000000e+00 : f32
          %reduce_or3A_111 = arith.cmpf ogt, %reduce_or3A_109, %reduce_or3A_110 : f32
          scf.condition(%reduce_or3A_111) %while3A_97, %while3A_98, %while3A_99, %while3A_100, %while3A_101 : vector<16xi1>, vector<16xf32>, vector<16xf32>, vector<16xf32>, vector<16xf32>
        } do {
        ^bb0(%while3A_97: vector<16xi1>, %while3A_98: vector<16xf32>, %while3A_99: vector<16xf32>, %while3A_100: vector<16xf32>, %while3A_101: vector<16xf32>):
          %all_reduce_ffs3A = tpu.all_reduce %while3A_97 {dim = 0 : i64, kind = #tpu.reduction_kind<find_first_set>} : vector<16xi1> -> vector<16xi32>
          %broadcast_in_dim3A_102 = vector.shape_cast %all_reduce_ffs3A : vector<16xi32> to vector<16x1xi32>
          %gather3A = vector.shape_cast %broadcast_in_dim3A_102 : vector<16x1xi32> to vector<16xi32>
          %gather3A_103 = tpu.dynamic_gather %get3A_94[%gather3A] in [0] : vector<16xf32>, vector<16xi32> -> vector<16xf32>
          %ne3A = arith.cmpi ne, %iota3A, %all_reduce_ffs3A : vector<16xi32>
          %and3A = arith.andi %while3A_97, %ne3A : vector<16xi1>
          %sub3A = arith.subf %gather3A_103, %get3A_33 : vector<16xf32>
          %max3A = arith.constant 0.000000e+00 : f32
          %max3A_104 = vector.broadcast %max3A : f32 to vector<16xf32>
          %max3A_105 = arith.maximumf %sub3A, %max3A_104 : vector<16xf32>
          %add3A_106 = arith.addf %while3A_98, %max3A_105 : vector<16xf32>
          %sub3A_107 = arith.subf %gather3A_103, %get3A_36 : vector<16xf32>
          %max3A_108 = arith.constant 0.000000e+00 : f32
          %max3A_109 = vector.broadcast %max3A_108 : f32 to vector<16xf32>
          %max3A_110 = arith.maximumf %sub3A_107, %max3A_109 : vector<16xf32>
          %add3A_111 = arith.addf %while3A_99, %max3A_110 : vector<16xf32>
          %sub3A_112 = arith.subf %gather3A_103, %get3A_39 : vector<16xf32>
          %max3A_113 = arith.constant 0.000000e+00 : f32
          %max3A_114 = vector.broadcast %max3A_113 : f32 to vector<16xf32>
          %max3A_115 = arith.maximumf %sub3A_112, %max3A_114 : vector<16xf32>
          %add3A_116 = arith.addf %while3A_100, %max3A_115 : vector<16xf32>
          %sub3A_117 = arith.subf %gather3A_103, %get3A_42 : vector<16xf32>
          %max3A_118 = arith.constant 0.000000e+00 : f32
          %max3A_119 = vector.broadcast %max3A_118 : f32 to vector<16xf32>
          %max3A_120 = arith.maximumf %sub3A_117, %max3A_119 : vector<16xf32>
          %add3A_121 = arith.addf %while3A_101, %max3A_120 : vector<16xf32>
          %sub3A_122 = arith.subf %gather3A_103, %get3A_45 : vector<16xf32>
          %max3A_123 = arith.constant 0.000000e+00 : f32
          %max3A_124 = vector.broadcast %max3A_123 : f32 to vector<16xf32>
          %max3A_125 = arith.maximumf %sub3A_122, %max3A_124 : vector<16xf32>
          %add3A_126 = arith.addf %add3A_106, %max3A_125 : vector<16xf32>
          %sub3A_127 = arith.subf %gather3A_103, %get3A_48 : vector<16xf32>
          %max3A_128 = arith.constant 0.000000e+00 : f32
          %max3A_129 = vector.broadcast %max3A_128 : f32 to vector<16xf32>
          %max3A_130 = arith.maximumf %sub3A_127, %max3A_129 : vector<16xf32>
          %add3A_131 = arith.addf %add3A_111, %max3A_130 : vector<16xf32>
          %sub3A_132 = arith.subf %gather3A_103, %get3A_51 : vector<16xf32>
          %max3A_133 = arith.constant 0.000000e+00 : f32
          %max3A_134 = vector.broadcast %max3A_133 : f32 to vector<16xf32>
          %max3A_135 = arith.maximumf %sub3A_132, %max3A_134 : vector<16xf32>
          %add3A_136 = arith.addf %add3A_116, %max3A_135 : vector<16xf32>
          %sub3A_137 = arith.subf %gather3A_103, %get3A_54 : vector<16xf32>
          %max3A_138 = arith.constant 0.000000e+00 : f32
          %max3A_139 = vector.broadcast %max3A_138 : f32 to vector<16xf32>
          %max3A_140 = arith.maximumf %sub3A_137, %max3A_139 : vector<16xf32>
          %add3A_141 = arith.addf %add3A_121, %max3A_140 : vector<16xf32>
          %sub3A_142 = arith.subf %gather3A_103, %get3A_57 : vector<16xf32>
          %max3A_143 = arith.constant 0.000000e+00 : f32
          %max3A_144 = vector.broadcast %max3A_143 : f32 to vector<16xf32>
          %max3A_145 = arith.maximumf %sub3A_142, %max3A_144 : vector<16xf32>
          %add3A_146 = arith.addf %add3A_126, %max3A_145 : vector<16xf32>
          %sub3A_147 = arith.subf %gather3A_103, %get3A_60 : vector<16xf32>
          %max3A_148 = arith.constant 0.000000e+00 : f32
          %max3A_149 = vector.broadcast %max3A_148 : f32 to vector<16xf32>
          %max3A_150 = arith.maximumf %sub3A_147, %max3A_149 : vector<16xf32>
          %add3A_151 = arith.addf %add3A_131, %max3A_150 : vector<16xf32>
          %sub3A_152 = arith.subf %gather3A_103, %get3A_63 : vector<16xf32>
          %max3A_153 = arith.constant 0.000000e+00 : f32
          %max3A_154 = vector.broadcast %max3A_153 : f32 to vector<16xf32>
          %max3A_155 = arith.maximumf %sub3A_152, %max3A_154 : vector<16xf32>
          %add3A_156 = arith.addf %add3A_136, %max3A_155 : vector<16xf32>
          %sub3A_157 = arith.subf %gather3A_103, %get3A_66 : vector<16xf32>
          %max3A_158 = arith.constant 0.000000e+00 : f32
          %max3A_159 = vector.broadcast %max3A_158 : f32 to vector<16xf32>
          %max3A_160 = arith.maximumf %sub3A_157, %max3A_159 : vector<16xf32>
          %add3A_161 = arith.addf %add3A_141, %max3A_160 : vector<16xf32>
          %sub3A_162 = arith.subf %gather3A_103, %get3A_69 : vector<16xf32>
          %max3A_163 = arith.constant 0.000000e+00 : f32
          %max3A_164 = vector.broadcast %max3A_163 : f32 to vector<16xf32>
          %max3A_165 = arith.maximumf %sub3A_162, %max3A_164 : vector<16xf32>
          %add3A_166 = arith.addf %add3A_146, %max3A_165 : vector<16xf32>
          %sub3A_167 = arith.subf %gather3A_103, %get3A_72 : vector<16xf32>
          %max3A_168 = arith.constant 0.000000e+00 : f32
          %max3A_169 = vector.broadcast %max3A_168 : f32 to vector<16xf32>
          %max3A_170 = arith.maximumf %sub3A_167, %max3A_169 : vector<16xf32>
          %add3A_171 = arith.addf %add3A_151, %max3A_170 : vector<16xf32>
          %sub3A_172 = arith.subf %gather3A_103, %get3A_75 : vector<16xf32>
          %max3A_173 = arith.constant 0.000000e+00 : f32
          %max3A_174 = vector.broadcast %max3A_173 : f32 to vector<16xf32>
          %max3A_175 = arith.maximumf %sub3A_172, %max3A_174 : vector<16xf32>
          %add3A_176 = arith.addf %add3A_156, %max3A_175 : vector<16xf32>
          %sub3A_177 = arith.subf %gather3A_103, %get3A_78 : vector<16xf32>
          %max3A_178 = arith.constant 0.000000e+00 : f32
          %max3A_179 = vector.broadcast %max3A_178 : f32 to vector<16xf32>
          %max3A_180 = arith.maximumf %sub3A_177, %max3A_179 : vector<16xf32>
          %add3A_181 = arith.addf %add3A_161, %max3A_180 : vector<16xf32>
          scf.yield %and3A, %add3A_166, %add3A_171, %add3A_176, %add3A_181 : vector<16xi1>, vector<16xf32>, vector<16xf32>, vector<16xf32>, vector<16xf32>
        }
        scf.yield %while3A#1, %while3A#2, %while3A#3, %while3A#4 : vector<16xf32>, vector<16xf32>, vector<16xf32>, vector<16xf32>
      }
      %scan3A_84 = arith.constant 16 : i32
      scf.yield %scan3A_83#0, %scan3A_83#1, %scan3A_83#2, %scan3A_83#3 : vector<16xf32>, vector<16xf32>, vector<16xf32>, vector<16xf32>
    }
    %scan3A_22 = arith.constant 8 : i32
    %add3A_23 = arith.addf %scan3A_21#0, %scan3A_21#1 : vector<16xf32>
    %add3A_24 = arith.addf %add3A_23, %scan3A_21#2 : vector<16xf32>
    %add3A_25 = arith.addf %add3A_24, %scan3A_21#3 : vector<16xf32>
    %swap3A = arith.constant 0 : index
    %swap3A_26 = tpu.vector_load %arg7[%swap3A] {strides = array<i32>} : memref<16xf32, #tpu.memory_space<vmem>>, vector<16xf32>,
    tpu.vector_store %arg7[%swap3A], %add3A_25 {strides = array<i32>} : memref<16xf32, #tpu.memory_space<vmem>>, vector<16xf32>,
    "tpu.region"() ({
      %run_scoped3A = tpu.sem_alloc : memref<!tpu.dma_semaphore, #tpu.memory_space<semaphore_mem>>
      %dma_start3A_27 = arith.constant 0 : i32
      %dma_start3A_28 = tpu.memref_slice %arg4[%add3A, %dma_start3A_27] : memref<32x16xf32, #tpu.memory_space<hbm>> -> memref<1x16xf32, #tpu.memory_space<hbm>>
      %dma_start3A_29 = tpu.memref_squeeze %dma_start3A_28 : memref<1x16xf32, #tpu.memory_space<hbm>> -> memref<16xf32, #tpu.memory_space<hbm>>
      %dma_start3A_30 = arith.constant 0 : i32
      %dma_start3A_31 = tpu.memref_slice %arg4[%add3A, %dma_start3A_30] : memref<32x16xf32, #tpu.memory_space<hbm>> -> memref<1x16xf32, #tpu.memory_space<hbm>>
      %dma_start3A_32 = tpu.memref_squeeze %dma_start3A_31 : memref<1x16xf32, #tpu.memory_space<hbm>> -> memref<16xf32, #tpu.memory_space<hbm>>
      tpu.enqueue_dma source(%arg7 : memref<16xf32, #tpu.memory_space<vmem>>) target(%dma_start3A_32 : memref<16xf32, #tpu.memory_space<hbm>>) target_semaphore(%run_scoped3A : memref<!tpu.dma_semaphore, #tpu.memory_space<semaphore_mem>>)
      %dma_wait3A_33 = arith.constant 0 : i32
      %dma_wait3A_34 = tpu.memref_slice %arg4[%add3A, %dma_wait3A_33] : memref<32x16xf32, #tpu.memory_space<hbm>> -> memref<1x16xf32, #tpu.memory_space<hbm>>
      %dma_wait3A_35 = tpu.memref_squeeze %dma_wait3A_34 : memref<1x16xf32, #tpu.memory_space<hbm>> -> memref<16xf32, #tpu.memory_space<hbm>>
      %dma_wait3A_36 = arith.constant 0 : i32
      %dma_wait3A_37 = tpu.memref_slice %arg4[%add3A, %dma_wait3A_36] : memref<32x16xf32, #tpu.memory_space<hbm>> -> memref<1x16xf32, #tpu.memory_space<hbm>>
      %dma_wait3A_38 = tpu.memref_squeeze %dma_wait3A_37 : memref<1x16xf32, #tpu.memory_space<hbm>> -> memref<16xf32, #tpu.memory_space<hbm>>
      tpu.wait_dma2 semaphore(%run_scoped3A : memref<!tpu.dma_semaphore, #tpu.memory_space<semaphore_mem>>) src(%arg7 : memref<16xf32, #tpu.memory_space<vmem>>) dst(%dma_wait3A_38 : memref<16xf32, #tpu.memory_space<hbm>>)
      tpu.yield
    }) : () -> ()
    return
  }
}

module attributes {stable_mosaic.version = 14 : i64} {
  func.func @_prep_kernel(%arg0: memref<256x1024xf32, #tpu.memory_space<vmem>>, %arg1: memref<256x1xi32, #tpu.memory_space<vmem>>, %arg2: memref<1x256xi32, #tpu.memory_space<vmem>>, %arg3: memref<256x256xf32, #tpu.memory_space<vmem>>, %arg4: memref<256x256xf32, #tpu.memory_space<vmem>>, %arg5: memref<1x1xi32, #tpu.memory_space<vmem>>) attributes {dimension_semantics = [], scalar_prefetch = 0 : i64, scratch_operands = 0 : i64, tpu.core_type = #tpu.core_type<tc>} {
    %get3A = arith.constant 0 : index
    %get3A_0 = arith.constant 0 : index
    %get3A_1 = vector.load %arg0[%get3A, %get3A_0] : memref<256x1024xf32, #tpu.memory_space<vmem>>, vector<256x1024xf32>
    %transpose3A = tpu.transpose %get3A_1, [1, 0] : vector<256x1024xf32> -> vector<1024x256xf32>
    %dot_general3A = arith.constant dense<0.000000e+00> : vector<256x256xf32>
    %dot_general3A_2 = tpu.matmul %get3A_1, %transpose3A, %dot_general3A {dimension_numbers = #tpu.dot_dimension_numbers<[1], [0], [0], [1], [0, 0, 1, 1], [], []>, transpose_lhs_hint = false} : vector<256x1024xf32>, vector<1024x256xf32>, vector<256x256xf32> -> vector<256x256xf32>
    %mul3A = arith.mulf %get3A_1, %get3A_1 : vector<256x1024xf32>
    %reduce_sum3A = arith.constant dense<0.000000e+00> : vector<256xf32>
    %reduce_sum3A_3 = vector.multi_reduction <add>, %mul3A, %reduce_sum3A [1] : vector<256x1024xf32> to vector<256xf32>
    %broadcast_in_dim3A = vector.shape_cast %reduce_sum3A_3 : vector<256xf32> to vector<256x1xf32>
    %broadcast_in_dim3A_4 = vector.shape_cast %reduce_sum3A_3 : vector<256xf32> to vector<1x256xf32>
    %add3A = vector.broadcast %broadcast_in_dim3A : vector<256x1xf32> to vector<256x256xf32>
    %add3A_5 = vector.broadcast %broadcast_in_dim3A_4 : vector<1x256xf32> to vector<256x256xf32>
    %add3A_6 = arith.addf %add3A, %add3A_5 : vector<256x256xf32>
    %mul3A_7 = arith.constant 2.000000e+00 : f32
    %mul3A_8 = vector.broadcast %mul3A_7 : f32 to vector<256x256xf32>
    %mul3A_9 = arith.mulf %mul3A_8, %dot_general3A_2 : vector<256x256xf32>
    %sub3A = arith.subf %add3A_6, %mul3A_9 : vector<256x256xf32>
    %get3A_10 = arith.constant 0 : index
    %get3A_11 = arith.constant 0 : index
    %get3A_12 = vector.load %arg1[%get3A_10, %get3A_11] : memref<256x1xi32, #tpu.memory_space<vmem>>, vector<256x1xi32>
    %get3A_13 = arith.constant 0 : index
    %get3A_14 = arith.constant 0 : index
    %get3A_15 = vector.load %arg2[%get3A_13, %get3A_14] : memref<1x256xi32, #tpu.memory_space<vmem>>, vector<1x256xi32>
    %eq3A = vector.broadcast %get3A_12 : vector<256x1xi32> to vector<256x256xi32>
    %eq3A_16 = vector.broadcast %get3A_15 : vector<1x256xi32> to vector<256x256xi32>
    %eq3A_17 = arith.cmpi eq, %eq3A, %eq3A_16 : vector<256x256xi32>
    %iota3A = tpu.iota {dimensions = array<i32: 0>} : vector<256x256xi32>
    %iota3A_18 = tpu.iota {dimensions = array<i32: 1>} : vector<256x256xi32>
    %ne3A = arith.cmpi ne, %iota3A, %iota3A_18 : vector<256x256xi32>
    %and3A = arith.andi %eq3A_17, %ne3A : vector<256x256xi1>
    %not3A = arith.constant dense<true> : vector<256x256xi1>
    %not3A_19 = arith.xori %eq3A_17, %not3A : vector<256x256xi1>
    %add3A_20 = arith.constant 1.000000e+00 : f32
    %add3A_21 = vector.broadcast %add3A_20 : f32 to vector<256x256xf32>
    %add3A_22 = arith.addf %sub3A, %add3A_21 : vector<256x256xf32>
    %jit3A = arith.constant -1.000000e+30 : f32
    %broadcast_in_dim3A_23 = vector.broadcast %jit3A : f32 to vector<256x256xf32>
    %select_n3A = arith.select %and3A, %add3A_22, %broadcast_in_dim3A_23 : vector<256x256xi1>, vector<256x256xf32>
    %swap3A = arith.constant 0 : index
    %swap3A_24 = arith.constant 0 : index
    %swap3A_25 = vector.load %arg3[%swap3A, %swap3A_24] : memref<256x256xf32, #tpu.memory_space<vmem>>, vector<256x256xf32>
    tpu.vector_store %arg3[%swap3A, %swap3A_24], %select_n3A {strides = array<i32>} : memref<256x256xf32, #tpu.memory_space<vmem>>, vector<256x256xf32>,
    %jit3A_26 = arith.constant 1.000000e+30 : f32
    %broadcast_in_dim3A_27 = vector.broadcast %jit3A_26 : f32 to vector<256x256xf32>
    %select_n3A_28 = arith.select %not3A_19, %sub3A, %broadcast_in_dim3A_27 : vector<256x256xi1>, vector<256x256xf32>
    %swap3A_29 = arith.constant 0 : index
    %swap3A_30 = arith.constant 0 : index
    %swap3A_31 = vector.load %arg4[%swap3A_29, %swap3A_30] : memref<256x256xf32, #tpu.memory_space<vmem>>, vector<256x256xf32>
    tpu.vector_store %arg4[%swap3A_29, %swap3A_30], %select_n3A_28 {strides = array<i32>} : memref<256x256xf32, #tpu.memory_space<vmem>>, vector<256x256xf32>,
    %convert_element_type3A = arith.extui %and3A : vector<256x256xi1> to vector<256x256xi32>
    %reduce_sum3A_32 = arith.constant dense<0> : vector<256xi32>
    %reduce_sum3A_33 = vector.multi_reduction <add>, %convert_element_type3A, %reduce_sum3A_32 [1] : vector<256x256xi32> to vector<256xi32>
    %convert_element_type3A_34 = arith.extui %not3A_19 : vector<256x256xi1> to vector<256x256xi32>
    %reduce_sum3A_35 = arith.constant dense<0> : vector<256xi32>
    %reduce_sum3A_36 = vector.multi_reduction <add>, %convert_element_type3A_34, %reduce_sum3A_35 [1] : vector<256x256xi32> to vector<256xi32>
    %mul3A_37 = arith.muli %reduce_sum3A_33, %reduce_sum3A_36 : vector<256xi32>
    %reduce_sum3A_38 = vector.shape_cast %mul3A_37 : vector<256xi32> to vector<1x256xi32>
    %reduce_sum3A_39 = arith.constant dense<0> : vector<1xi32>
    %reduce_sum3A_40 = vector.multi_reduction <add>, %reduce_sum3A_38, %reduce_sum3A_39 [1] : vector<1x256xi32> to vector<1xi32>
    %reduce_sum3A_41 = vector.shape_cast %reduce_sum3A_40 : vector<1xi32> to vector<1x1xi32>
    %reduce_sum3A_42 = vector.extract %reduce_sum3A_41[0, 0] : i32 from vector<1x1xi32>
    %reshape3A = vector.broadcast %reduce_sum3A_42 : i32 to vector<1x1xi32>
    %swap3A_43 = arith.constant 0 : index
    %swap3A_44 = arith.constant 0 : index
    %swap3A_45 = vector.load %arg5[%swap3A_43, %swap3A_44] : memref<1x1xi32, #tpu.memory_space<vmem>>, vector<1x1xi32>
    tpu.vector_store %arg5[%swap3A_43, %swap3A_44], %reshape3A {strides = array<i32>} : memref<1x1xi32, #tpu.memory_space<vmem>>, vector<1x1xi32>,
    return
  }
}

module attributes {stable_mosaic.version = 14 : i64} {
  func.func @_finalize_kernel(%arg0: memref<32x16xf32, #tpu.memory_space<vmem>>, %arg1: memref<1x1xi32, #tpu.memory_space<vmem>>, %arg2: memref<1x1xf32, #tpu.memory_space<vmem>>) attributes {dimension_semantics = [], scalar_prefetch = 0 : i64, scratch_operands = 0 : i64, tpu.core_type = #tpu.core_type<tc>} {
    %get3A = arith.constant 0 : index
    %get3A_0 = arith.constant 0 : index
    %get3A_1 = vector.load %arg1[%get3A, %get3A_0] : memref<1x1xi32, #tpu.memory_space<vmem>>, vector<1x1xi32>
    %get3A_2 = vector.extract %get3A_1[0, 0] : i32 from vector<1x1xi32>
    %get3A_3 = arith.constant 0 : index
    %get3A_4 = arith.constant 0 : index
    %get3A_5 = vector.load %arg0[%get3A_3, %get3A_4] : memref<32x16xf32, #tpu.memory_space<vmem>>, vector<32x16xf32>
    %reduce_sum3A = vector.shape_cast %get3A_5 : vector<32x16xf32> to vector<1x32x16xf32>
    %reduce_sum3A_6 = arith.constant dense<0.000000e+00> : vector<1xf32>
    %reduce_sum3A_7 = vector.multi_reduction <add>, %reduce_sum3A, %reduce_sum3A_6 [1, 2] : vector<1x32x16xf32> to vector<1xf32>
    %reduce_sum3A_8 = vector.shape_cast %reduce_sum3A_7 : vector<1xf32> to vector<1x1x1xf32>
    %reduce_sum3A_9 = vector.extract %reduce_sum3A_8[0, 0, 0] : f32 from vector<1x1x1xf32>
    %gt3A = arith.constant 0 : i32
    %gt3A_10 = arith.cmpi sgt, %get3A_2, %gt3A : i32
    %max3A = arith.constant 1 : i32
    %max3A_11 = arith.maxsi %get3A_2, %max3A : i32
    %convert_element_type3A = arith.sitofp %max3A_11 : i32 to f32
    %div3A = arith.divf %reduce_sum3A_9, %convert_element_type3A : f32
    %jit3A = arith.constant 0.000000e+00 : f32
    %select_n3A = arith.select %gt3A_10, %div3A, %jit3A : f32
    %reshape3A = vector.broadcast %select_n3A : f32 to vector<1x1xf32>
    %swap3A = arith.constant 0 : index
    %swap3A_12 = arith.constant 0 : index
    %swap3A_13 = vector.load %arg2[%swap3A, %swap3A_12] : memref<1x1xf32, #tpu.memory_space<vmem>>, vector<1x1xf32>
    tpu.vector_store %arg2[%swap3A, %swap3A_12], %reshape3A {strides = array<i32>} : memref<1x1xf32, #tpu.memory_space<vmem>>, vector<1x1xf32>,
    return
  }
}

</mosaic_0001>

<sc_bundles>
// kernel: kernel.5.cloned.1.call-start
scs
__scs_entry_jumppad:
0x0: {  	(pc) =	sbr.rel $0x88, $3  }
0x1: {  	(tag) =	ssettag $0x0;
	lr =	simm.s32 $0x1  }
0x2: {  	[smem:$0x3F9F] =	sst lr;
	_ =	strace $0xD0000000  }
0x3: {  	_ = 	snop  }
0x4: {  	_ = 	snop  }
0x5: {  	_ = 	snop  }
0x6: {  	_ = 	snop  }
0x7: {  	_ = 	snop  }
__scs_overlays_trampoline_lowered:
0x8: {  	[smem:$0x3FAE] =	sst s0  }
0x9: {  	[smem:$0x3FAF] =	sst s1  }
0xa: {  	[smem:$0x3FB0] =	sst s2  }
0xb: {  	[smem:$0x3FB1] =	sst s3  }
0xc: {  	[smem:$0x3FB2] =	sst s4  }
0xd: {  	[smem:$0x3FB3] =	sst s5  }
0xe: {  	[smem:$0x3FB4] =	sst s6  }
0xf: {  	[smem:$0x3FB5] =	sst s7  }
0x10: {  	[smem:$0x3FB6] =	sst s8  }
0x11: {  	[smem:$0x3FB7] =	sst s9;
	s0 =	simm.s32 @!p0 $0x0  }
0x12: {  	s1 =	sld [smem:$0x3F9D];
	s0 =	simm.s32 @p0 $0x1  }
0x13: {  	[smem:$0x3FB8] =	sst s0;
	s0 =	simm.s32 @!p1 $0x0  }
0x14: {  	s2 =	sld [smem:$0x3F9C];
	s0 =	simm.s32 @p1 $0x1  }
0x15: {  	[smem:$0x3FB9] =	sst s0;
	s0 =	simm.s32 @!p2 $0x0  }
0x16: {  	s3 =	sld [smem:$0x3FDB];
	s0 =	simm.s32 @p2 $0x1  }
0x17: {  	s4 =	simm.s32 $0x1BF5;
	[smem:$0x3FBB] =	sst s0  }
0x18: {  	s0 =	sld [smem:$0x3F9E];
	_ =	swait.ge [sflag:s4], $0x0  }
0x19: {  	s7 =	sld [smem:$0x3F9F]  }
0x1a: {  	s8 =	sadd.s32 $0xFFFFE003, lr  }
0x1b: {  	s9 =	sadd.s32 $0xFFFFFEF7, lr;
	s5 =	simm.s32 $0xFFFFFFFF;
	p2 =	slt.u32 s8, $0xFFFFF086  }
0x1c: {  	p1 =	slt.u32 s9, $0xF7A;
	s5 =	simm.s32 @!p2 $0x0  }
0x1d: {  	s5 =	simm.s32 @p1 $0x1;
	p0 =	seq.s32 s7, s2  }
0x1e: {  	s7 =	smul.u32 @!p0 $0xF7A, s2;
	p2 =	seq.s32 @!p0 s5, $0x0  }
0x1f: {  	s9 =	smul.u32 $0xF7A, s1;
	s8 =	simm.s32 @!p0 $0x1BF5;
	p2 =	por !p2, p0  }
0x20: {  	[sflag:s8] =	ssyncset.s32 @!p0 $0xFFFFF086;
	s6 =	sadd.s32 @!p0 s3, s7;
	s7 =	simm.s32 @!p0 $0x108  }
0x21: {  	s3 =	sadd.s32 s3, s9;
	s6 =	sadd.s32 @!p0 $0x88, s6;
	s7 =	simm.s32 @p2 $0x1082  }
0x22: {  	[simem:s7], [sflag:s8] =	dma.local @!p0 [hbm:s6], $0xF7A  }
0x23: {  	s9 =	sor.u32 $0xD0000000, s2;
	s6 =	simm.s32 $0x108;
	_ =	swait.ge @!p0 [sflag:s8], $0x0  }
0x24: {  	s3 =	sadd.s32 $0x88, s3;
	s6 =	simm.s32 @!p1 $0x1082;
	[sflag:s4] =	ssyncset.s32 $0xFFFFF086  }
0x25: {  	[simem:s6], [sflag:s4] =	dma.local [hbm:s3], $0xF7A  }
0x26: {  	[smem:$0x3F9F] =	sst s1;
	(tag) =	ssettag s2;
	_ =	strace s9  }
0x27: {  	s1 =	sld [smem:$0x3FAF]  }
0x28: {  	s2 =	sld [smem:$0x3FB0]  }
0x29: {  	s4 =	sld [smem:$0x3FB2]  }
0x2a: {  	p0 =	seq.s32 s5, $0x0;
	s5 =	sld [smem:$0x3FB3]  }
0x2b: {  	s6 =	sld [smem:$0x3FB4]  }
0x2c: {  	s7 =	sld [smem:$0x3FB5]  }
0x2d: {  	s3 =	simm.s32 $0x108;
	s8 =	sld [smem:$0x3FB6]  }
0x2e: {  	s3 =	simm.s32 @!p0 $0x1082;
	s9 =	sld [smem:$0x3FB7]  }
0x2f: {  	lr =	sadd.s32 s0, s3;
	s0 =	sld [smem:$0x3FAE]  }
0x30: {  	s3 =	sld [smem:$0x3FB1]  }
0x31: {  	[smem:$0x3FBA] =	sst s10  }
0x32: {  	s10 =	sld [smem:$0x3FB8];
	_ =	sdelay $0x3  }
0x33: {  	p0 =	seq.s32 s10, $0x1;
	s10 =	sld [smem:$0x3FBA];
	_ =	sdelay $0x3  }
0x34: {  	[smem:$0x3FBA] =	sst s10  }
0x35: {  	s10 =	sld [smem:$0x3FB9];
	_ =	sdelay $0x3  }
0x36: {  	p1 =	seq.s32 s10, $0x1;
	s10 =	sld [smem:$0x3FBA];
	_ =	sdelay $0x3  }
0x37: {  	[smem:$0x3FBA] =	sst s10  }
0x38: {  	s10 =	sld [smem:$0x3FBB]  }
0x39: {  	_ = 	snop;
	(pc) =	sbr.ind lr, $3  }
0x3a: {  	_ = 	snop  }
0x3b: {  	_ = 	snop  }
0x3c: {  	p2 =	seq.s32 s10, $0x1;
	s10 =	sld [smem:$0x3FBA]  }
0x3d: {  	_ =	shalt  }
0x3e: {  	_ =	shalt  }
0x3f: {  	_ =	shalt  }
0x40: {  	_ =	shalt  }
0x41: {  	_ =	shalt  }
0x42: {  	_ =	shalt  }
0x43: {  	_ =	shalt  }
0x44: {  	_ =	shalt  }
0x45: {  	_ =	shalt  }
0x46: {  	_ =	shalt  }
0x47: {  	_ =	shalt  }
0x48: {  	_ =	shalt  }
0x49: {  	_ =	shalt  }
0x4a: {  	_ =	shalt  }
0x4b: {  	_ =	shalt  }
0x4c: {  	_ =	shalt  }
0x4d: {  	_ =	shalt  }
0x4e: {  	_ =	shalt  }
0x4f: {  	_ =	shalt  }
0x50: {  	_ =	shalt  }
0x51: {  	_ =	shalt  }
0x52: {  	_ =	shalt  }
0x53: {  	_ =	shalt  }
0x54: {  	_ =	shalt  }
0x55: {  	_ =	shalt  }
0x56: {  	_ =	shalt  }
0x57: {  	_ =	shalt  }
0x58: {  	_ =	shalt  }
0x59: {  	_ =	shalt  }
0x5a: {  	_ =	shalt  }
0x5b: {  	_ =	shalt  }
0x5c: {  	_ =	shalt  }
0x5d: {  	_ =	shalt  }
0x5e: {  	_ =	shalt  }
0x5f: {  	_ =	shalt  }
0x60: {  	_ =	shalt  }
0x61: {  	_ =	shalt  }
0x62: {  	_ =	shalt  }
0x63: {  	_ =	shalt  }
0x64: {  	_ =	shalt  }
0x65: {  	_ =	shalt  }
0x66: {  	_ =	shalt  }
0x67: {  	_ =	shalt  }
0x68: {  	_ =	shalt  }
0x69: {  	_ =	shalt  }
0x6a: {  	_ =	shalt  }
0x6b: {  	_ =	shalt  }
0x6c: {  	_ =	shalt  }
0x6d: {  	_ =	shalt  }
0x6e: {  	_ =	shalt  }
0x6f: {  	_ =	shalt  }
0x70: {  	_ =	shalt  }
0x71: {  	_ =	shalt  }
0x72: {  	_ =	shalt  }
0x73: {  	_ =	shalt  }
0x74: {  	_ =	shalt  }
0x75: {  	_ =	shalt  }
0x76: {  	_ =	shalt  }
0x77: {  	_ =	shalt  }
0x78: {  	_ =	shalt  }
0x79: {  	_ =	shalt  }
0x7a: {  	_ =	shalt  }
0x7b: {  	_ =	shalt  }
0x7c: {  	_ =	shalt  }
0x7d: {  	_ =	shalt  }
0x7e: {  	_ =	shalt  }
0x7f: {  	_ =	shalt  }
0x80: {  	_ =	shalt  }
0x81: {  	_ =	shalt  }
0x82: {  	_ =	shalt  }
0x83: {  	_ =	shalt  }
0x84: {  	_ =	shalt  }
0x85: {  	_ =	shalt  }
0x86: {  	_ =	shalt  }
0x87: {  	_ =	shalt  }
.Lfunc_end0:
.L_simem_size_0:
called_computation_lowered:
.L_overlay_start_0:
0x88: {  	s2 =	sld [smem:$0x3FD9]  }
0x89: {  	s3 =	sld [smem:$0x3FFE];
	_ =	sdelay $0x1  }
0x8a: {  	s1 =	srdreg.scid  }
0x8b: {  	s0 =	sand.u32 $0x1, s1  }
0x8c: {  	s16 =	sshll.u32 s0, $0xA;
	s2 =	sadd.s32 s3, s2  }
0x8d: {  	s2 =	sadd.s32 s2, s16  }
0x8e: {  	[smem:$0x3FC6] =	sst s2  }
0x8f: {  	_ = 	snop  }
0x90: {  	(tm) =	ssettm $0x1  }
0x91: {  	s17 =	sld [smem:$0x3FFB];
	_ =	sdelay $0x3  }
0x92: {  	_ =	strace s17  }
0x93: {  	s2 =	sld [smem:$0x3FFC];
	_ =	sdelay $0x3  }
0x94: {  	_ =	strace s2  }
0x95: {  	s2 =	sld [smem:$0x3FFD];
	_ =	sdelay $0x3  }
0x96: {  	_ =	strace s2  }
0x97: {  	_ =	strace $0x8FFFFFFF  }
0x98: {  	s18 =	sld [smem:$0x3FDB];
	_ =	sdelay $0x1  }
0x99: {  	s19 =	simm.s32 $_scs_section_size  }
0x9a: {  	s4 =	simm.s32 $_size__tile_overlayer_lowered;
	s5 =	simm.s32 $_tile_overlayer_lowered  }
0x9b: {  	s22 =	simm.s32 $0x1BFF;
	s21 =	sshll.u32 s5, $0x1;
	s2 =	sadd.s32 s19, s18  }
0x9c: {  	s6 =	simm.s32 $0x0;
	s20 =	sshll.u32 s4, $0x1;
	s4 =	sadd.s32 s21, s2  }
0x9d: {  	[timem:s6], [sflag:s22] =	dma.local [hbm:s4], s20  }
0x9e: {  	_ =	swait.ge [sflag:s22], s20  }
0x9f: {  	s3 =	ssub.s32 $0x0, s20;
	[sflag:s22] =	ssyncset.done $0x0  }
0xa0: {  	[sflag:s22] =	ssyncadd.s32 s3;
	_ =	sdelay $0x1  }
0xa1: {  	s23 =	simm.s32 $0x1B8B  }
0xa2: {  	_ =	swait.ge [sflag:s23], $0x1  }
0xa3: {  	[sflag:s23] =	ssyncset.done $0x0  }
0xa4: {  	s25 =	simm.s32 $0x1B8E;
	s24 =	sld [smem:$0x3FFE];
	[sflag:s23] =	ssyncadd.s32 $0xFFFFFFFF  }
0xa5: {  	s26 =	simm.s32 $execute0_lowered;
	[smem:$0x3FD2] =	sst s25  }
0xa6: {  	s4 =	sshll.u32 s26, $0x1;
	_ =	strace $0x80000046;
	[dreg:$0x1] =	wrdreg $0xFFFFFFFF  }
0xa7: {  	s28 =	simm.s32 $_size_execute0_lowered;
	s2 =	sadd.s32 s2, s4;
	[dreg:$0x0] =	wrdreg $0x0  }
0xa8: {  	s4 =	sshll.u32 s28, $0x1;
	[dreg:$0x2] =	wrdreg s2  }
0xa9: {  	[dreg:$0x3] =	wrdreg s4  }
0xaa: {  	[dreg:$0x4] =	wrdreg $0xC0  }
0xab: {  	_ =	task [dreg:s6], $0x5FFFF  }
0xac: {  	[dreg:$0x1] =	wrdreg $0xFFFFFFFF  }
0xad: {  	[dreg:$0x0] =	wrdreg $0x60  }
0xae: {  	[dreg:$0x2] =	wrdreg s24  }
0xaf: {  	[dreg:$0x3] =	wrdreg $0x9  }
0xb0: {  	_ =	task.clear_ibuf [dreg:s6], $0x4FFFF;
	_ =	strace $0x90000046  }
0xb1: {  	s29 =	simm.s32 $0x9;
	_ =	strace $0x80000048  }
0xb2: {  	_ =	swait.ge [sflag:s29], $0x1  }
0xb3: {  	[sflag:s29] =	ssyncadd.s32 $0xFFFFFFFF  }
0xb4: {  	_ =	strace $0x90000048  }
0xb5: {  	_ =	sfence  }
0xb6: {  	s30 =	sld [smem:$0x0];
	_ =	sdelay $0x2  }
0xb7: {  	s31 =	sshll.u32 s1, $0xD;
	s1 =	sshrl.u32 s1, $0x2  }
0xb8: {  	s3 =	sand.u32 $0x4000, s31;
	s1 =	sadd.s32 s1, s30  }
0xb9: {  	s0 =	sor.u32 s3, s0;
	s1 =	sshll.u32 s1, $0x11  }
0xba: {  	s0 =	sor.u32 s1, s0  }
0xbb: {  	s0 =	sadd.s32 $0x8F2B, s0  }
0xbc: {  	[sflag:s0] =	ssyncadd.remote.s32 $0x1  }
0xbd: {  	_ =	sfence.sel $0xFFFF  }
0xbe: {  	[dreg:$0x0] =	wrdreg $0xFFFFFFFF;
	(pc) =	sbr.abs _section_cstart, $3  }
0xbf: {  	[dreg:$0x1] =	wrdreg $0xFFFFFFFF  }
0xc0: {  	_ =	task.clear_ibuf [dreg:s6], $0x2FFFF;
	_ =	strace $0x9FFFFFFF  }
0xc1: {  	(tm) =	ssettm $0x7FFFFFFF  }
tec
execute0_lowered:
.L_overlay_start_1:
0x0: {  	(tag) =	ssettag $0x1  }
0x1: {  	s3 =	rddreg [dreg:$0x0]  }
0x2: {  	s0 =	rddreg [dreg:$0x1];
	s2 =	simm.s32 $0x0  }
0x3: {  	s4 =	srdreg.scid;
	s1 =	stileid.u32;
	s8 =	simm.s32 $0x1  }
0x4: {  	s9 =	simm.s32 $0x1000;
	s10 =	simm.s32 $0x2;
	s11 =	simm.s32 $0x0  }
0x5: {  	[smem:$0x7FF] =	sst s2;
	s4 =	sand.u32 $0x1, s4;
	s5 =	sshll.u32 s1, $0x1  }
.Ltmp0:
0x6: {  	_ =	strace $0x80000047;
	s5 =	sor.u32 s4, s5;
	(pc) =	sbr.rel .LBB2_1-.Ltmp0, $4  }
0x7: {  	s4 =	ssub.s32 $0x2, s4;
	s6 =	sshll.u32 s5, $0x8;
	s5 =	sshll.u32 s5, $0x1  }
0x8: {  	s7 =	sshrl.u32 s4, $0x1;
	s6 =	sadd.s32 s6, s3;
	s5 =	sadd.s32 s5, s3  }
0x9: {  	s7 =	ssub.s32 s4, s7;
	s3 =	sadd.s32 $0xA00, s6;
	s4 =	sadd.s32 $0x2A00, s6  }
0xa: {  	v0 =	vimm.f32 $0.0e+00;
	v1 =	vlaneseq.u32;
	s5 =	sadd.s32 $0x4A00, s5;
	s6 =	smax.u32 s7, $0x1;
	s7 =	simm.s32 $0x800  }
.LBB2_7:
0xb: {  	v2 =	vadd.f32 v22, v23;
	_ =	sdelay $0x1  }
0xc: {  	v2 =	vadd.f32 v20, v2;
	_ =	sdelay $0x1  }
0xd: {  	s11 =	sadd.s32 $0x1, s11;
	v2 =	vadd.f32 v19, v2  }
0xe: {  	p0 =	sne.s32 s11, s6  }
.Ltmp1:
0xf: {  	[tilespmem:$0x1000] =	vst v2;
	(pc) =	sbr.rel @!p0 .LBB2_8-.Ltmp1, $4  }
0x10: {  	[hbm4b:s5+s2] =	stream.linear.scatter [tilespmem:s9], [sflag:$0x2], $0x10, $0x38;
	[tilespmem:$0x1010] =	vst v63  }
0x11: {  	_ =	swait.ge [sflag:s10], $0x10  }
0x12: {  	[sflag:s10] =	ssyncset.done $0x0  }
0x13: {  	[sflag:s10] =	ssyncadd.s32 $0xFFFFFFF0  }
.LBB2_1:
0x14: {  	[tilespmem:s2], [sflag:$0x1] =	stream.linear.gather [hbm4b:s3+s2], $0x800, $0x38;
	[tilespmem:$0x1010] =	vst v63  }
0x15: {  	_ = 	snop  }
0x16: {  	[tilespmem:s7], [sflag:$0x1] =	stream.linear.gather [hbm4b:s4+s2], $0x800, $0x38;
	[tilespmem:$0x1010] =	vst v63  }
0x17: {  	_ =	swait.ge [sflag:s8], $0x800  }
.Ltmp2:
0x18: {  	[sflag:s8] =	ssyncset.done $0x0;
	(pc) =	sbr.rel .LBB2_2-.Ltmp2, $4  }
0x19: {  	[sflag:s8] =	ssyncadd.s32 $0xFFFFF800  }
0x1a: {  	_ =	swait.ge [sflag:s8], $0x800  }
0x1b: {  	v19 =	vimm.f32 $0.0e+00;
	[sflag:s8] =	ssyncset.done $0x0  }
0x1c: {  	v20 =	vimm.f32 $0.0e+00;
	v22 =	vimm.f32 $0.0e+00;
	v23 =	vimm.f32 $0.0e+00;
	s12 =	simm.s32 $0x0;
	[sflag:s8] =	ssyncadd.s32 $0xFFFFF800  }
.LBB2_6:
0x1d: {  	s12 =	sadd.s32 $0x1, s12  }
0x1e: {  	p0 =	sne.s32 s12, $0x8  }
.Ltmp3:
0x1f: {  	_ = 	snop;
	(pc) =	sbr.rel @!p0 .LBB2_7-.Ltmp3, $1  }
0x20: {  	_ =	sdelay $0x3  }
.LBB2_2:
0x21: {  	s14 =	sshll.u32 s12, $0x8  }
0x22: {  	v2 =	vld [tilespmem:s14+$0x800]  }
0x23: {  	v3 =	vld [tilespmem:s14+$0x810]  }
0x24: {  	v4 =	vld [tilespmem:s14+$0x820]  }
0x25: {  	v5 =	vld [tilespmem:s14+$0x830]  }
0x26: {  	v6 =	vld [tilespmem:s14+$0x840]  }
0x27: {  	v7 =	vld [tilespmem:s14+$0x850]  }
0x28: {  	v8 =	vld [tilespmem:s14+$0x860]  }
0x29: {  	v9 =	vld [tilespmem:s14+$0x870]  }
0x2a: {  	v10 =	vld [tilespmem:s14+$0x880]  }
0x2b: {  	v11 =	vld [tilespmem:s14+$0x890]  }
0x2c: {  	v12 =	vld [tilespmem:s14+$0x8A0]  }
.Ltmp4:
0x2d: {  	v13 =	vld [tilespmem:s14+$0x8B0];
	(pc) =	sbr.rel .LBB2_3-.Ltmp4, $4  }
0x2e: {  	v14 =	vld [tilespmem:s14+$0x8C0]  }
0x2f: {  	v15 =	vld [tilespmem:s14+$0x8D0]  }
0x30: {  	v16 =	vld [tilespmem:s14+$0x8E0]  }
0x31: {  	s13 =	simm.s32 $0x0;
	v17 =	vld [tilespmem:s14+$0x8F0];
	v18 =	vmov s14  }
.LBB2_5:
0x32: {  	s13 =	sadd.s32 $0x1, s13  }
0x33: {  	p0 =	sne.s32 s13, $0x10  }
.Ltmp5:
0x34: {  	_ = 	snop;
	(pc) =	sbr.rel @!p0 .LBB2_6-.Ltmp5, $1  }
0x35: {  	_ =	sdelay $0x3  }
.LBB2_3:
0x36: {  	_ =	sdelay $0x1  }
0x37: {  	s14 =	sshll.u32 s13, $0x4  }
0x38: {  	s14 =	sand.u32 $0x3FFFFFF0, s14  }
0x39: {  	v21 =	vld.idx.msk [tilespmem:v18+s14+$0x0 ss:$0x1], $0xffff;
	_ =	sdelay $0x4  }
0x3a: {  	vm0 =	vgt.f32 v21, $-5.000000080e+29  }
0x3b: {  	v24 =	vsel vm0, $0x3F800000, v0  }
0x3c: {  	(xrf0) =	vmax.scan.msk.f32 $0xffff, v24;
	_ =	sdelay $0x5  }
0x3d: {  	v24, _, _ =	vpop (xrf0)  }
0x3e: {  	(v2sf) =	vpush v24, $0xF;
	_ =	sdelay $0xe  }
0x3f: {  	s31 =	spop (v2sf)  }
0x40: {  	p0 =	sgt.f32 s31, $0.0e+00  }
.Ltmp6:
0x41: {  	_ = 	snop;
	(pc) =	sbr.rel @!p0 .LBB2_5-.Ltmp6, $1  }
0x42: {  	_ =	sdelay $0x3  }
.LBB2_4:
0x43: {  	v24 =	vmctz.xlane vm0;
	_ =	sdelay $0x1  }
0x44: {  	vm1 =	vne.s32 v24, v1  }
0x45: {  	vm0 =	vmand vm0, vm1  }
0x46: {  	v25 =	vsel vm0, $0x3F800000, v0  }
0x47: {  	(xrf0) =	vmax.scan.msk.f32 $0xffff, v25;
	_ =	sdelay $0x5  }
0x48: {  	v25, _, _ =	vpop (xrf0)  }
0x49: {  	(v2sf) =	vpush v25, $0xF  }
0x4a: {  	v24 =	vperm.xlane v21, v24;
	_ =	sdelay $0x1  }
0x4b: {  	v39 =	vsub.f32 v24, v2;
	v26 =	vsub.f32 v24, v3  }
0x4c: {  	v27 =	vsub.f32 v24, v4;
	v41 =	vsub.f32 v24, v5  }
0x4d: {  	v43 =	vsub.f32 v24, v6;
	v45 =	vsub.f32 v24, v7  }
0x4e: {  	v47 =	vsub.f32 v24, v8;
	v49 =	vsub.f32 v24, v9  }
0x4f: {  	v51 =	vsub.f32 v24, v10;
	v53 =	vsub.f32 v24, v11  }
0x50: {  	v55 =	vsub.f32 v24, v12;
	v57 =	vsub.f32 v24, v13  }
0x51: {  	v59 =	vsub.f32 v24, v14;
	v61 =	vsub.f32 v24, v15  }
0x52: {  	v28 =	vsub.f32 v24, v16;
	v24 =	vsub.f32 v24, v17  }
0x53: {  	v40 =	vmax.f32 v26, $0.0e+00;
	v42 =	vmax.f32 v27, $0.0e+00;
	v44 =	vmax.f32 v41, $0.0e+00  }
0x54: {  	v46 =	vmax.f32 v43, $0.0e+00;
	v48 =	vmax.f32 v45, $0.0e+00;
	v50 =	vmax.f32 v47, $0.0e+00  }
0x55: {  	v52 =	vmax.f32 v49, $0.0e+00;
	v54 =	vmax.f32 v51, $0.0e+00;
	v56 =	vmax.f32 v53, $0.0e+00  }
0x56: {  	v22 =	vadd.f32 v40, v22;
	v20 =	vadd.f32 v42, v20;
	v25 =	vmax.f32 v39, $0.0e+00  }
0x57: {  	v58 =	vmax.f32 v55, $0.0e+00;
	v19 =	vadd.f32 v44, v19;
	v23 =	vadd.f32 v25, v23;
	s14 =	spop (v2sf)  }
0x58: {  	v60 =	vmax.f32 v57, $0.0e+00;
	v22 =	vadd.f32 v22, v48;
	v20 =	vadd.f32 v20, v50;
	p0 =	sgt.f32 s14, $0.0e+00  }
.Ltmp7:
0x59: {  	v27 =	vmax.f32 v59, $0.0e+00;
	v19 =	vadd.f32 v19, v52;
	v23 =	vadd.f32 v23, v46;
	(pc) =	sbr.rel @p0 .LBB2_4-.Ltmp7, $4  }
0x5a: {  	v62 =	vmax.f32 v61, $0.0e+00;
	v22 =	vadd.f32 v22, v56;
	v20 =	vadd.f32 v20, v58  }
0x5b: {  	v63 =	vmax.f32 v28, $0.0e+00;
	v19 =	vadd.f32 v19, v60;
	v23 =	vadd.f32 v23, v54  }
0x5c: {  	v24 =	vmax.f32 v24, $0.0e+00;
	v22 =	vadd.f32 v22, v62;
	v20 =	vadd.f32 v20, v63  }
0x5d: {  	v19 =	vadd.f32 v19, v24;
	v23 =	vadd.f32 v23, v27  }
.Ltmp8:
0x5e: {  	_ = 	snop;
	(pc) =	sbr.rel .LBB2_5-.Ltmp8, $1  }
0x5f: {  	_ =	sdelay $0x3  }
.LBB2_8:
0x60: {  	_ =	sfence.sel $0x180000  }
0x61: {  	[bflag:$0x0] =	sbarrier.arrive $0xFFFF  }
0x62: {  	p0 =	sne.s32 s1, $0x0;
	_ =	strace $0x90000047  }
0x63: {  	s0 =	sadd.s32 @!p0 $0x100000, s0;
	[bflag:$0x2] =	sbarrier.arrive $0xFFFF  }
0x64: {  	[sflag:s0] =	ssyncadd.tile.s32 @!p0 $0x1;
	_ =	shalt  }
.Lfunc_end2:
_tile_overlayer_lowered:
.L_overlay_start_2:
0x65: {  	(tag) =	ssettag $0x2  }
0x66: {  	s0 =	rddreg [dreg:$0x0];
	s2 =	stileid.u32  }
0x67: {  	s1 =	rddreg [dreg:$0x1];
	p0 =	sne.s32 s2, $0x0  }
0x68: {  	s3 =	rddreg [dreg:$0x2];
	[bflag:$0x3] =	sbarrier.arrive $0xFFFF;
	s2 =	simm.s32 @!p0 $0x1C02  }
0x69: {  	[timem:s3], [sflag:s2] =	dma.local @!p0 [hbm:s0], s1  }
0x6a: {  	s0 =	simm.s32 @!p0 $0x2  }
0x6b: {  	_ =	swait.ge @!p0 [sflag:s0], s1  }
0x6c: {  	s1 =	ssub.s32 @!p0 $0x0, s1;
	[sflag:s0] =	ssyncset.done @!p0 $0x0  }
0x6d: {  	[sflag:s0] =	ssyncadd.s32 @!p0 s1  }
0x6e: {  	[bflag:$0x3] =	sbarrier.arrive $0xFFFF  }
0x6f: {  	_ =	shalt  }

</sc_bundles>
